<compile_context>
chip_gen: v7x
topology: tpu7x:2x2x1
jax: 0.10.2.dev20260603
libtpu: 0.0.44.dev20260713+nightly
codegen_flags: <defaults>
</compile_context>

<pallas_src>
import dataclasses

import jax
import jax.numpy as jnp
from jax import lax
from jax.experimental import pallas as pl
from jax.experimental.pallas import tpu as pltpu
from jax.experimental.pallas import tpu_sc as plsc

_B = 16384
_DIM = 128
_NU = 339
_NI = 5825
_NUP = 344
_NIP = 5888
_CT = _NIP // 128
_NCB = 23
_GROWS = _CT * _NUP
_NC = 1
_NS = 16
_NW = _NC * _NS
_BPW = _B // _NW
_GC = 128
_NGC = _BPW // _GC
_L = 16


def _matmul_body(u_ref, i_ref, g_ref):
    res = lax.dot_general(
        u_ref[...], i_ref[...],
        dimension_numbers=(((1,), (1,)), ((), ())),
        preferred_element_type=jnp.float32,
        precision=lax.Precision.DEFAULT)
    for c in range(_NCB):
        g_ref[pl.ds(c * _NUP * 128, _NUP * 128)] = (
            res[:, c * 128:(c + 1) * 128].reshape(_NUP * 128))


def _gather_body(uidx_hbm, iidx_hbm, gflat, out_hbm,
                 uidx_v, iidx_v, fidx_v, vals_v, sem, sem2):
    wid = lax.axis_index("subcore")
    base = wid * _BPW
    cu = pltpu.async_copy(uidx_hbm.at[pl.ds(base, _BPW)], uidx_v, sem)
    ci = pltpu.async_copy(iidx_hbm.at[pl.ds(base, _BPW)], iidx_v, sem2)
    cu.wait()
    ci.wait()

    @pl.loop(0, _BPW // _L)
    def _(g):
        s = pl.ds(g * _L, _L)
        u = uidx_v[s]
        i = iidx_v[s]
        addr = (i >> 7) * (_NUP * 128) + (u << 7) + (i & 127)
        fidx_v[g // (_GC // _L), pl.ds((g % (_GC // _L)) * _L, _L)] = addr

    copies = [
        pltpu.async_copy(gflat.at[fidx_v.at[c]], vals_v.at[c], sem)
        for c in range(_NGC)
    ]
    for cp_ in copies:
        cp_.wait()
    pltpu.sync_copy(vals_v, out_hbm.at[pl.ds(wid * _NGC, _NGC), :])


def kernel(UserIdx, itemIdx, user_table, item_table):
    g = pl.pallas_call(
        _matmul_body,
        grid=(_CT // _NCB,),
        in_specs=[
            pl.BlockSpec((_NUP, _DIM), lambda n: (0, 0)),
            pl.BlockSpec((_NCB * 128, _DIM), lambda n: (n, 0)),
        ],
        out_specs=pl.BlockSpec((_NCB * _NUP * 128,), lambda n: (n,)),
        out_shape=jax.ShapeDtypeStruct((_GROWS * 128,), jnp.float32),
    )(user_table, item_table)

    mesh = plsc.VectorSubcoreMesh(core_axis_name="core",
                                  subcore_axis_name="subcore",
                                  num_cores=_NC)
    cp = pltpu.CompilerParams()
    if "needs_layout_passes" in pltpu.CompilerParams.__dataclass_fields__:
        cp = dataclasses.replace(cp, needs_layout_passes=False)
    gather = pl.kernel(
        _gather_body,
        out_type=jax.ShapeDtypeStruct((_NW * _NGC, _GC), jnp.float32),
        mesh=mesh,
        scratch_types=[
            pltpu.VMEM((_BPW,), jnp.int32),
            pltpu.VMEM((_BPW,), jnp.int32),
            pltpu.VMEM((_NGC, _GC), jnp.int32),
            pltpu.VMEM((_NGC, _GC), jnp.float32),
            pltpu.SemaphoreType.DMA,
            pltpu.SemaphoreType.DMA,
        ],
        compiler_params=cp,
    )
    res = gather(UserIdx.astype(jnp.int32), itemIdx.astype(jnp.int32), g)
    return res.reshape(-1)

# --- scband reference (transcript-rebuilt; emitter-appended) ---
"""Pipeline reference for scband-pure-mf-33646773797291 (READ-ONLY COPY).

The authoritative reference and input builder live on the scoring server;
editing this copy changes nothing except your own understanding.
"""

import jax, jax.numpy as jnp
import numpy as np

B = 16384
DIM = 128
N_USERS = 339
N_ITEMS = 5825

def setup_inputs(seed: int = 0) -> dict:
    key = jax.random.key(seed)
    k1, k2, k3, k4 = jax.random.split(key, 4)
    UserIdx = jax.random.randint(k1, (B,), 0, N_USERS, dtype=jnp.int64 if jax.config.jax_enable_x64 else jnp.int32)
    itemIdx = jax.random.randint(k2, (B,), 0, N_ITEMS, dtype=jnp.int64 if jax.config.jax_enable_x64 else jnp.int32)
    user_table = jax.random.normal(k3, (N_USERS, DIM), dtype=jnp.float32)
    item_table = jax.random.normal(k4, (N_ITEMS, DIM), dtype=jnp.float32)
    return {"UserIdx": UserIdx, "itemIdx": itemIdx, "user_table": user_table, "item_table": item_table}

def reference(UserIdx, itemIdx, user_table, item_table):
    # embedding lookups (gather)
    user_embed = jnp.take(user_table, UserIdx, axis=0)
    item_embed = jnp.take(item_table, itemIdx, axis=0)
    # GMF elementwise product + sum over embedding dim
    gmf_output = user_embed * item_embed
    prediction = jnp.sum(gmf_output, axis=-1)
    return prediction.ravel()

if __name__ == "__main__":
    import jax
    _d = setup_inputs()
    print(jax.jit(kernel)(*tuple(_d.values())))

</pallas_src>

<mosaic_0001>
#map = affine_map<(d0, d1) -> (0)>
#map1 = affine_map<(d0, d1) -> (0, 0)>
module attributes {stable_mosaic.version = 14 : i64} {
  func.func @_gather_body(%arg0: i32, %arg1: i32, %arg2: memref<16384xi32, #tpu.memory_space<hbm>>, %arg3: memref<16384xi32, #tpu.memory_space<hbm>>, %arg4: memref<2025472xf32, #tpu.memory_space<hbm>>, %arg5: memref<128x128xf32, #tpu.memory_space<hbm>>, %arg6: memref<1024xi32, #tpu.memory_space<vmem>>, %arg7: memref<1024xi32, #tpu.memory_space<vmem>>, %arg8: memref<8x128xi32, #tpu.memory_space<vmem>>, %arg9: memref<8x128xf32, #tpu.memory_space<vmem>>, %arg10: memref<!tpu.dma_semaphore, #tpu.memory_space<semaphore_mem>>, %arg11: memref<!tpu.dma_semaphore, #tpu.memory_space<semaphore_mem>>) attributes {dimension_semantics = [#tpu.dimension_semantics<core_parallel>, #tpu.dimension_semantics<subcore_parallel>], iteration_bounds = array<i64: 1, 16>, scalar_prefetch = 0 : i64, scratch_operands = 6 : i64, tpu.core_type = #tpu.core_type<sc_vector_subcore>, window_params = [{transform_indices = #map}, {transform_indices = #map}, {transform_indices = #map}, {transform_indices = #map1}]} {
    %mul3A = arith.constant 1024 : i32
    %mul3A_0 = arith.muli %arg1, %mul3A : i32
    %dma_start3A = tpu.memref_slice %arg2[%mul3A_0] : memref<16384xi32, #tpu.memory_space<hbm>> -> memref<1024xi32, #tpu.memory_space<hbm>>
    %dma_start3A_1 = tpu.memref_slice %arg2[%mul3A_0] : memref<16384xi32, #tpu.memory_space<hbm>> -> memref<1024xi32, #tpu.memory_space<hbm>>
    tpu.enqueue_dma source(%dma_start3A_1 : memref<1024xi32, #tpu.memory_space<hbm>>) target(%arg6 : memref<1024xi32, #tpu.memory_space<vmem>>) target_semaphore(%arg10 : memref<!tpu.dma_semaphore, #tpu.memory_space<semaphore_mem>>)
    %dma_start3A_2 = tpu.memref_slice %arg3[%mul3A_0] : memref<16384xi32, #tpu.memory_space<hbm>> -> memref<1024xi32, #tpu.memory_space<hbm>>
    %dma_start3A_3 = tpu.memref_slice %arg3[%mul3A_0] : memref<16384xi32, #tpu.memory_space<hbm>> -> memref<1024xi32, #tpu.memory_space<hbm>>
    tpu.enqueue_dma source(%dma_start3A_3 : memref<1024xi32, #tpu.memory_space<hbm>>) target(%arg7 : memref<1024xi32, #tpu.memory_space<vmem>>) target_semaphore(%arg11 : memref<!tpu.dma_semaphore, #tpu.memory_space<semaphore_mem>>)
    %dma_wait3A = tpu.memref_slice %arg2[%mul3A_0] : memref<16384xi32, #tpu.memory_space<hbm>> -> memref<1024xi32, #tpu.memory_space<hbm>>
    %dma_wait3A_4 = tpu.memref_slice %arg2[%mul3A_0] : memref<16384xi32, #tpu.memory_space<hbm>> -> memref<1024xi32, #tpu.memory_space<hbm>>
    tpu.wait_dma2 semaphore(%arg10 : memref<!tpu.dma_semaphore, #tpu.memory_space<semaphore_mem>>) src(%dma_wait3A_4 : memref<1024xi32, #tpu.memory_space<hbm>>) dst(%arg6 : memref<1024xi32, #tpu.memory_space<vmem>>)
    %dma_wait3A_5 = tpu.memref_slice %arg3[%mul3A_0] : memref<16384xi32, #tpu.memory_space<hbm>> -> memref<1024xi32, #tpu.memory_space<hbm>>
    %dma_wait3A_6 = tpu.memref_slice %arg3[%mul3A_0] : memref<16384xi32, #tpu.memory_space<hbm>> -> memref<1024xi32, #tpu.memory_space<hbm>>
    tpu.wait_dma2 semaphore(%arg11 : memref<!tpu.dma_semaphore, #tpu.memory_space<semaphore_mem>>) src(%dma_wait3A_6 : memref<1024xi32, #tpu.memory_space<hbm>>) dst(%arg7 : memref<1024xi32, #tpu.memory_space<vmem>>)
    %scan3A = arith.constant 0 : i32
    %scan3A_7 = arith.constant 64 : i32
    %scan3A_8 = arith.addi %scan3A, %scan3A_7 : i32
    %scan3A_9 = arith.constant 1 : i32
    scf.for %scan3A_173 = %scan3A to %scan3A_8 step %scan3A_9  : i32 {
      %mul3A_174 = arith.constant 1 : i32
      %mul3A_175 = arith.muli %scan3A_173, %mul3A_174 : i32
      %add3A = arith.constant 0 : i32
      %add3A_176 = arith.addi %add3A, %mul3A_175 : i32
      %mul3A_177 = arith.constant 16 : i32
      %mul3A_178 = arith.muli %add3A_176, %mul3A_177 : i32
      %get3A = arith.index_cast %mul3A_178 : i32 to index
      %get3A_179 = tpu.vector_load %arg6[%get3A] {strides = array<i32>} : memref<1024xi32, #tpu.memory_space<vmem>>, vector<16xi32>,
      %get3A_180 = arith.index_cast %mul3A_178 : i32 to index
      %get3A_181 = tpu.vector_load %arg7[%get3A_180] {strides = array<i32>} : memref<1024xi32, #tpu.memory_space<vmem>>, vector<16xi32>,
      %shift_right_arithmetic3A = arith.constant 7 : i32
      %shift_right_arithmetic3A_182 = vector.broadcast %shift_right_arithmetic3A : i32 to vector<16xi32>
      %shift_right_arithmetic3A_183 = arith.shrsi %get3A_181, %shift_right_arithmetic3A_182 : vector<16xi32>
      %mul3A_184 = arith.constant 44032 : i32
      %mul3A_185 = vector.broadcast %mul3A_184 : i32 to vector<16xi32>
      %mul3A_186 = arith.muli %shift_right_arithmetic3A_183, %mul3A_185 : vector<16xi32>
      %shift_left3A = arith.constant 7 : i32
      %shift_left3A_187 = vector.broadcast %shift_left3A : i32 to vector<16xi32>
      %shift_left3A_188 = arith.shli %get3A_179, %shift_left3A_187 : vector<16xi32>
      %add3A_189 = arith.addi %mul3A_186, %shift_left3A_188 : vector<16xi32>
      %and3A = arith.constant 127 : i32
      %and3A_190 = vector.broadcast %and3A : i32 to vector<16xi32>
      %and3A_191 = arith.andi %get3A_181, %and3A_190 : vector<16xi32>
      %add3A_192 = arith.addi %add3A_189, %and3A_191 : vector<16xi32>
      %jit3A = arith.constant 8 : i32
      %div3A = arith.divsi %add3A_176, %jit3A : i32
      %sign3A = arith.constant 0 : i32
      %sign3A_193 = arith.cmpi sgt, %add3A_176, %sign3A : i32
      %sign3A_194 = arith.extui %sign3A_193 : i1 to i32
      %sign3A_195 = arith.constant 0 : i32
      %sign3A_196 = arith.cmpi slt, %add3A_176, %sign3A_195 : i32
      %sign3A_197 = arith.extui %sign3A_196 : i1 to i32
      %sign3A_198 = arith.subi %sign3A_194, %sign3A_197 : i32
      %sign3A_199 = arith.constant 0 : i32
      %sign3A_200 = arith.cmpi sgt, %jit3A, %sign3A_199 : i32
      %sign3A_201 = arith.extui %sign3A_200 : i1 to i32
      %sign3A_202 = arith.constant 0 : i32
      %sign3A_203 = arith.cmpi slt, %jit3A, %sign3A_202 : i32
      %sign3A_204 = arith.extui %sign3A_203 : i1 to i32
      %sign3A_205 = arith.subi %sign3A_201, %sign3A_204 : i32
      %ne3A = arith.cmpi ne, %sign3A_198, %sign3A_205 : i32
      %rem3A = arith.remsi %add3A_176, %jit3A : i32
      %ne3A_206 = arith.constant 0 : i32
      %ne3A_207 = arith.cmpi ne, %rem3A, %ne3A_206 : i32
      %and3A_208 = arith.andi %ne3A, %ne3A_207 : i1
      %sub3A = arith.constant 1 : i32
      %sub3A_209 = arith.subi %div3A, %sub3A : i32
      %select_n3A = arith.select %and3A_208, %sub3A_209, %div3A : i32
      %jit3A_210 = arith.constant 8 : i32
      %eq3A = arith.constant 0 : i32
      %eq3A_211 = arith.cmpi eq, %jit3A_210, %eq3A : i32
      %jit3A_212 = arith.constant 1 : i32
      %select_n3A_213 = arith.select %eq3A_211, %jit3A_212, %jit3A_210 : i32
      %rem3A_214 = arith.remsi %add3A_176, %select_n3A_213 : i32
      %ne3A_215 = arith.constant 0 : i32
      %ne3A_216 = arith.cmpi ne, %rem3A_214, %ne3A_215 : i32
      %lt3A = arith.constant 0 : i32
      %lt3A_217 = arith.cmpi slt, %rem3A_214, %lt3A : i32
      %lt3A_218 = arith.constant 0 : i32
      %lt3A_219 = arith.cmpi slt, %select_n3A_213, %lt3A_218 : i32
      %ne3A_220 = arith.xori %lt3A_217, %lt3A_219 : i1
      %and3A_221 = arith.andi %ne3A_220, %ne3A_216 : i1
      %add3A_222 = arith.addi %rem3A_214, %select_n3A_213 : i32
      %select_n3A_223 = arith.select %and3A_221, %add3A_222, %rem3A_214 : i32
      %mul3A_224 = arith.constant 16 : i32
      %mul3A_225 = arith.muli %select_n3A_223, %mul3A_224 : i32
      %swap3A = arith.index_cast %select_n3A : i32 to index
      %swap3A_226 = arith.index_cast %mul3A_225 : i32 to index
      %swap3A_227 = tpu.vector_load %arg8[%swap3A, %swap3A_226] {strides = array<i32>} : memref<8x128xi32, #tpu.memory_space<vmem>>, vector<16xi32>,
      tpu.vector_store %arg8[%swap3A, %swap3A_226], %add3A_192 {strides = array<i32>} : memref<8x128xi32, #tpu.memory_space<vmem>>, vector<16xi32>,
    }
    %scan3A_10 = arith.constant 64 : i32
    %dma_start3A_11 = arith.constant 0 : i32
    %dma_start3A_12 = arith.constant 0 : i32
    %dma_start3A_13 = arith.constant 0 : i32
    %dma_start3A_14 = tpu.memref_slice %arg9[%dma_start3A_12, %dma_start3A_13] : memref<8x128xf32, #tpu.memory_space<vmem>> -> memref<1x128xf32, #tpu.memory_space<vmem>>
    %dma_start3A_15 = tpu.memref_squeeze %dma_start3A_14 : memref<1x128xf32, #tpu.memory_space<vmem>> -> memref<128xf32, #tpu.memory_space<vmem>>
    %dma_start3A_16 = arith.constant 0 : i32
    %dma_start3A_17 = tpu.memref_slice %arg8[%dma_start3A_11, %dma_start3A_16] : memref<8x128xi32, #tpu.memory_space<vmem>> -> memref<1x128xi32, #tpu.memory_space<vmem>>
    %dma_start3A_18 = tpu.memref_squeeze %dma_start3A_17 : memref<1x128xi32, #tpu.memory_space<vmem>> -> memref<128xi32, #tpu.memory_space<vmem>>
    %dma_start3A_19 = arith.constant 0 : i32
    %dma_start3A_20 = tpu.memref_slice %arg4[%dma_start3A_19] : memref<2025472xf32, #tpu.memory_space<hbm>> -> memref<2025472xf32, #tpu.memory_space<hbm>>
    tpu.enqueue_indirect_dma source(%dma_start3A_20 : memref<2025472xf32, #tpu.memory_space<hbm>>) target(%dma_start3A_15 : memref<128xf32, #tpu.memory_space<vmem>>) offsets(%dma_start3A_18 : memref<128xi32, #tpu.memory_space<vmem>>) semaphore(%arg10 : memref<!tpu.dma_semaphore, #tpu.memory_space<semaphore_mem>>)
    %dma_start3A_21 = arith.constant 1 : i32
    %dma_start3A_22 = arith.constant 1 : i32
    %dma_start3A_23 = arith.constant 0 : i32
    %dma_start3A_24 = tpu.memref_slice %arg9[%dma_start3A_22, %dma_start3A_23] : memref<8x128xf32, #tpu.memory_space<vmem>> -> memref<1x128xf32, #tpu.memory_space<vmem>>
    %dma_start3A_25 = tpu.memref_squeeze %dma_start3A_24 : memref<1x128xf32, #tpu.memory_space<vmem>> -> memref<128xf32, #tpu.memory_space<vmem>>
    %dma_start3A_26 = arith.constant 0 : i32
    %dma_start3A_27 = tpu.memref_slice %arg8[%dma_start3A_21, %dma_start3A_26] : memref<8x128xi32, #tpu.memory_space<vmem>> -> memref<1x128xi32, #tpu.memory_space<vmem>>
    %dma_start3A_28 = tpu.memref_squeeze %dma_start3A_27 : memref<1x128xi32, #tpu.memory_space<vmem>> -> memref<128xi32, #tpu.memory_space<vmem>>
    %dma_start3A_29 = arith.constant 0 : i32
    %dma_start3A_30 = tpu.memref_slice %arg4[%dma_start3A_29] : memref<2025472xf32, #tpu.memory_space<hbm>> -> memref<2025472xf32, #tpu.memory_space<hbm>>
    tpu.enqueue_indirect_dma source(%dma_start3A_30 : memref<2025472xf32, #tpu.memory_space<hbm>>) target(%dma_start3A_25 : memref<128xf32, #tpu.memory_space<vmem>>) offsets(%dma_start3A_28 : memref<128xi32, #tpu.memory_space<vmem>>) semaphore(%arg10 : memref<!tpu.dma_semaphore, #tpu.memory_space<semaphore_mem>>)
    %dma_start3A_31 = arith.constant 2 : i32
    %dma_start3A_32 = arith.constant 2 : i32
    %dma_start3A_33 = arith.constant 0 : i32
    %dma_start3A_34 = tpu.memref_slice %arg9[%dma_start3A_32, %dma_start3A_33] : memref<8x128xf32, #tpu.memory_space<vmem>> -> memref<1x128xf32, #tpu.memory_space<vmem>>
    %dma_start3A_35 = tpu.memref_squeeze %dma_start3A_34 : memref<1x128xf32, #tpu.memory_space<vmem>> -> memref<128xf32, #tpu.memory_space<vmem>>
    %dma_start3A_36 = arith.constant 0 : i32
    %dma_start3A_37 = tpu.memref_slice %arg8[%dma_start3A_31, %dma_start3A_36] : memref<8x128xi32, #tpu.memory_space<vmem>> -> memref<1x128xi32, #tpu.memory_space<vmem>>
    %dma_start3A_38 = tpu.memref_squeeze %dma_start3A_37 : memref<1x128xi32, #tpu.memory_space<vmem>> -> memref<128xi32, #tpu.memory_space<vmem>>
    %dma_start3A_39 = arith.constant 0 : i32
    %dma_start3A_40 = tpu.memref_slice %arg4[%dma_start3A_39] : memref<2025472xf32, #tpu.memory_space<hbm>> -> memref<2025472xf32, #tpu.memory_space<hbm>>
    tpu.enqueue_indirect_dma source(%dma_start3A_40 : memref<2025472xf32, #tpu.memory_space<hbm>>) target(%dma_start3A_35 : memref<128xf32, #tpu.memory_space<vmem>>) offsets(%dma_start3A_38 : memref<128xi32, #tpu.memory_space<vmem>>) semaphore(%arg10 : memref<!tpu.dma_semaphore, #tpu.memory_space<semaphore_mem>>)
    %dma_start3A_41 = arith.constant 3 : i32
    %dma_start3A_42 = arith.constant 3 : i32
    %dma_start3A_43 = arith.constant 0 : i32
    %dma_start3A_44 = tpu.memref_slice %arg9[%dma_start3A_42, %dma_start3A_43] : memref<8x128xf32, #tpu.memory_space<vmem>> -> memref<1x128xf32, #tpu.memory_space<vmem>>
    %dma_start3A_45 = tpu.memref_squeeze %dma_start3A_44 : memref<1x128xf32, #tpu.memory_space<vmem>> -> memref<128xf32, #tpu.memory_space<vmem>>
    %dma_start3A_46 = arith.constant 0 : i32
    %dma_start3A_47 = tpu.memref_slice %arg8[%dma_start3A_41, %dma_start3A_46] : memref<8x128xi32, #tpu.memory_space<vmem>> -> memref<1x128xi32, #tpu.memory_space<vmem>>
    %dma_start3A_48 = tpu.memref_squeeze %dma_start3A_47 : memref<1x128xi32, #tpu.memory_space<vmem>> -> memref<128xi32, #tpu.memory_space<vmem>>
    %dma_start3A_49 = arith.constant 0 : i32
    %dma_start3A_50 = tpu.memref_slice %arg4[%dma_start3A_49] : memref<2025472xf32, #tpu.memory_space<hbm>> -> memref<2025472xf32, #tpu.memory_space<hbm>>
    tpu.enqueue_indirect_dma source(%dma_start3A_50 : memref<2025472xf32, #tpu.memory_space<hbm>>) target(%dma_start3A_45 : memref<128xf32, #tpu.memory_space<vmem>>) offsets(%dma_start3A_48 : memref<128xi32, #tpu.memory_space<vmem>>) semaphore(%arg10 : memref<!tpu.dma_semaphore, #tpu.memory_space<semaphore_mem>>)
    %dma_start3A_51 = arith.constant 4 : i32
    %dma_start3A_52 = arith.constant 4 : i32
    %dma_start3A_53 = arith.constant 0 : i32
    %dma_start3A_54 = tpu.memref_slice %arg9[%dma_start3A_52, %dma_start3A_53] : memref<8x128xf32, #tpu.memory_space<vmem>> -> memref<1x128xf32, #tpu.memory_space<vmem>>
    %dma_start3A_55 = tpu.memref_squeeze %dma_start3A_54 : memref<1x128xf32, #tpu.memory_space<vmem>> -> memref<128xf32, #tpu.memory_space<vmem>>
    %dma_start3A_56 = arith.constant 0 : i32
    %dma_start3A_57 = tpu.memref_slice %arg8[%dma_start3A_51, %dma_start3A_56] : memref<8x128xi32, #tpu.memory_space<vmem>> -> memref<1x128xi32, #tpu.memory_space<vmem>>
    %dma_start3A_58 = tpu.memref_squeeze %dma_start3A_57 : memref<1x128xi32, #tpu.memory_space<vmem>> -> memref<128xi32, #tpu.memory_space<vmem>>
    %dma_start3A_59 = arith.constant 0 : i32
    %dma_start3A_60 = tpu.memref_slice %arg4[%dma_start3A_59] : memref<2025472xf32, #tpu.memory_space<hbm>> -> memref<2025472xf32, #tpu.memory_space<hbm>>
    tpu.enqueue_indirect_dma source(%dma_start3A_60 : memref<2025472xf32, #tpu.memory_space<hbm>>) target(%dma_start3A_55 : memref<128xf32, #tpu.memory_space<vmem>>) offsets(%dma_start3A_58 : memref<128xi32, #tpu.memory_space<vmem>>) semaphore(%arg10 : memref<!tpu.dma_semaphore, #tpu.memory_space<semaphore_mem>>)
    %dma_start3A_61 = arith.constant 5 : i32
    %dma_start3A_62 = arith.constant 5 : i32
    %dma_start3A_63 = arith.constant 0 : i32
    %dma_start3A_64 = tpu.memref_slice %arg9[%dma_start3A_62, %dma_start3A_63] : memref<8x128xf32, #tpu.memory_space<vmem>> -> memref<1x128xf32, #tpu.memory_space<vmem>>
    %dma_start3A_65 = tpu.memref_squeeze %dma_start3A_64 : memref<1x128xf32, #tpu.memory_space<vmem>> -> memref<128xf32, #tpu.memory_space<vmem>>
    %dma_start3A_66 = arith.constant 0 : i32
    %dma_start3A_67 = tpu.memref_slice %arg8[%dma_start3A_61, %dma_start3A_66] : memref<8x128xi32, #tpu.memory_space<vmem>> -> memref<1x128xi32, #tpu.memory_space<vmem>>
    %dma_start3A_68 = tpu.memref_squeeze %dma_start3A_67 : memref<1x128xi32, #tpu.memory_space<vmem>> -> memref<128xi32, #tpu.memory_space<vmem>>
    %dma_start3A_69 = arith.constant 0 : i32
    %dma_start3A_70 = tpu.memref_slice %arg4[%dma_start3A_69] : memref<2025472xf32, #tpu.memory_space<hbm>> -> memref<2025472xf32, #tpu.memory_space<hbm>>
    tpu.enqueue_indirect_dma source(%dma_start3A_70 : memref<2025472xf32, #tpu.memory_space<hbm>>) target(%dma_start3A_65 : memref<128xf32, #tpu.memory_space<vmem>>) offsets(%dma_start3A_68 : memref<128xi32, #tpu.memory_space<vmem>>) semaphore(%arg10 : memref<!tpu.dma_semaphore, #tpu.memory_space<semaphore_mem>>)
    %dma_start3A_71 = arith.constant 6 : i32
    %dma_start3A_72 = arith.constant 6 : i32
    %dma_start3A_73 = arith.constant 0 : i32
    %dma_start3A_74 = tpu.memref_slice %arg9[%dma_start3A_72, %dma_start3A_73] : memref<8x128xf32, #tpu.memory_space<vmem>> -> memref<1x128xf32, #tpu.memory_space<vmem>>
    %dma_start3A_75 = tpu.memref_squeeze %dma_start3A_74 : memref<1x128xf32, #tpu.memory_space<vmem>> -> memref<128xf32, #tpu.memory_space<vmem>>
    %dma_start3A_76 = arith.constant 0 : i32
    %dma_start3A_77 = tpu.memref_slice %arg8[%dma_start3A_71, %dma_start3A_76] : memref<8x128xi32, #tpu.memory_space<vmem>> -> memref<1x128xi32, #tpu.memory_space<vmem>>
    %dma_start3A_78 = tpu.memref_squeeze %dma_start3A_77 : memref<1x128xi32, #tpu.memory_space<vmem>> -> memref<128xi32, #tpu.memory_space<vmem>>
    %dma_start3A_79 = arith.constant 0 : i32
    %dma_start3A_80 = tpu.memref_slice %arg4[%dma_start3A_79] : memref<2025472xf32, #tpu.memory_space<hbm>> -> memref<2025472xf32, #tpu.memory_space<hbm>>
    tpu.enqueue_indirect_dma source(%dma_start3A_80 : memref<2025472xf32, #tpu.memory_space<hbm>>) target(%dma_start3A_75 : memref<128xf32, #tpu.memory_space<vmem>>) offsets(%dma_start3A_78 : memref<128xi32, #tpu.memory_space<vmem>>) semaphore(%arg10 : memref<!tpu.dma_semaphore, #tpu.memory_space<semaphore_mem>>)
    %dma_start3A_81 = arith.constant 7 : i32
    %dma_start3A_82 = arith.constant 7 : i32
    %dma_start3A_83 = arith.constant 0 : i32
    %dma_start3A_84 = tpu.memref_slice %arg9[%dma_start3A_82, %dma_start3A_83] : memref<8x128xf32, #tpu.memory_space<vmem>> -> memref<1x128xf32, #tpu.memory_space<vmem>>
    %dma_start3A_85 = tpu.memref_squeeze %dma_start3A_84 : memref<1x128xf32, #tpu.memory_space<vmem>> -> memref<128xf32, #tpu.memory_space<vmem>>
    %dma_start3A_86 = arith.constant 0 : i32
    %dma_start3A_87 = tpu.memref_slice %arg8[%dma_start3A_81, %dma_start3A_86] : memref<8x128xi32, #tpu.memory_space<vmem>> -> memref<1x128xi32, #tpu.memory_space<vmem>>
    %dma_start3A_88 = tpu.memref_squeeze %dma_start3A_87 : memref<1x128xi32, #tpu.memory_space<vmem>> -> memref<128xi32, #tpu.memory_space<vmem>>
    %dma_start3A_89 = arith.constant 0 : i32
    %dma_start3A_90 = tpu.memref_slice %arg4[%dma_start3A_89] : memref<2025472xf32, #tpu.memory_space<hbm>> -> memref<2025472xf32, #tpu.memory_space<hbm>>
    tpu.enqueue_indirect_dma source(%dma_start3A_90 : memref<2025472xf32, #tpu.memory_space<hbm>>) target(%dma_start3A_85 : memref<128xf32, #tpu.memory_space<vmem>>) offsets(%dma_start3A_88 : memref<128xi32, #tpu.memory_space<vmem>>) semaphore(%arg10 : memref<!tpu.dma_semaphore, #tpu.memory_space<semaphore_mem>>)
    %dma_wait3A_91 = arith.constant 0 : i32
    %dma_wait3A_92 = arith.constant 0 : i32
    %dma_wait3A_93 = arith.constant 0 : i32
    %dma_wait3A_94 = tpu.memref_slice %arg9[%dma_wait3A_92, %dma_wait3A_93] : memref<8x128xf32, #tpu.memory_space<vmem>> -> memref<1x128xf32, #tpu.memory_space<vmem>>
    %dma_wait3A_95 = tpu.memref_squeeze %dma_wait3A_94 : memref<1x128xf32, #tpu.memory_space<vmem>> -> memref<128xf32, #tpu.memory_space<vmem>>
    %dma_wait3A_96 = arith.constant 0 : i32
    %dma_wait3A_97 = tpu.memref_slice %arg8[%dma_wait3A_91, %dma_wait3A_96] : memref<8x128xi32, #tpu.memory_space<vmem>> -> memref<1x128xi32, #tpu.memory_space<vmem>>
    %dma_wait3A_98 = tpu.memref_squeeze %dma_wait3A_97 : memref<1x128xi32, #tpu.memory_space<vmem>> -> memref<128xi32, #tpu.memory_space<vmem>>
    %dma_wait3A_99 = arith.constant 0 : i32
    %dma_wait3A_100 = tpu.memref_slice %arg4[%dma_wait3A_99] : memref<2025472xf32, #tpu.memory_space<hbm>> -> memref<2025472xf32, #tpu.memory_space<hbm>>
    tpu.wait_indirect_dma semaphore(%arg10 : memref<!tpu.dma_semaphore, #tpu.memory_space<semaphore_mem>>) src(%dma_wait3A_100 : memref<2025472xf32, #tpu.memory_space<hbm>>) dst(%dma_wait3A_95 : memref<128xf32, #tpu.memory_space<vmem>>)
    %dma_wait3A_101 = arith.constant 1 : i32
    %dma_wait3A_102 = arith.constant 1 : i32
    %dma_wait3A_103 = arith.constant 0 : i32
    %dma_wait3A_104 = tpu.memref_slice %arg9[%dma_wait3A_102, %dma_wait3A_103] : memref<8x128xf32, #tpu.memory_space<vmem>> -> memref<1x128xf32, #tpu.memory_space<vmem>>
    %dma_wait3A_105 = tpu.memref_squeeze %dma_wait3A_104 : memref<1x128xf32, #tpu.memory_space<vmem>> -> memref<128xf32, #tpu.memory_space<vmem>>
    %dma_wait3A_106 = arith.constant 0 : i32
    %dma_wait3A_107 = tpu.memref_slice %arg8[%dma_wait3A_101, %dma_wait3A_106] : memref<8x128xi32, #tpu.memory_space<vmem>> -> memref<1x128xi32, #tpu.memory_space<vmem>>
    %dma_wait3A_108 = tpu.memref_squeeze %dma_wait3A_107 : memref<1x128xi32, #tpu.memory_space<vmem>> -> memref<128xi32, #tpu.memory_space<vmem>>
    %dma_wait3A_109 = arith.constant 0 : i32
    %dma_wait3A_110 = tpu.memref_slice %arg4[%dma_wait3A_109] : memref<2025472xf32, #tpu.memory_space<hbm>> -> memref<2025472xf32, #tpu.memory_space<hbm>>
    tpu.wait_indirect_dma semaphore(%arg10 : memref<!tpu.dma_semaphore, #tpu.memory_space<semaphore_mem>>) src(%dma_wait3A_110 : memref<2025472xf32, #tpu.memory_space<hbm>>) dst(%dma_wait3A_105 : memref<128xf32, #tpu.memory_space<vmem>>)
    %dma_wait3A_111 = arith.constant 2 : i32
    %dma_wait3A_112 = arith.constant 2 : i32
    %dma_wait3A_113 = arith.constant 0 : i32
    %dma_wait3A_114 = tpu.memref_slice %arg9[%dma_wait3A_112, %dma_wait3A_113] : memref<8x128xf32, #tpu.memory_space<vmem>> -> memref<1x128xf32, #tpu.memory_space<vmem>>
    %dma_wait3A_115 = tpu.memref_squeeze %dma_wait3A_114 : memref<1x128xf32, #tpu.memory_space<vmem>> -> memref<128xf32, #tpu.memory_space<vmem>>
    %dma_wait3A_116 = arith.constant 0 : i32
    %dma_wait3A_117 = tpu.memref_slice %arg8[%dma_wait3A_111, %dma_wait3A_116] : memref<8x128xi32, #tpu.memory_space<vmem>> -> memref<1x128xi32, #tpu.memory_space<vmem>>
    %dma_wait3A_118 = tpu.memref_squeeze %dma_wait3A_117 : memref<1x128xi32, #tpu.memory_space<vmem>> -> memref<128xi32, #tpu.memory_space<vmem>>
    %dma_wait3A_119 = arith.constant 0 : i32
    %dma_wait3A_120 = tpu.memref_slice %arg4[%dma_wait3A_119] : memref<2025472xf32, #tpu.memory_space<hbm>> -> memref<2025472xf32, #tpu.memory_space<hbm>>
    tpu.wait_indirect_dma semaphore(%arg10 : memref<!tpu.dma_semaphore, #tpu.memory_space<semaphore_mem>>) src(%dma_wait3A_120 : memref<2025472xf32, #tpu.memory_space<hbm>>) dst(%dma_wait3A_115 : memref<128xf32, #tpu.memory_space<vmem>>)
    %dma_wait3A_121 = arith.constant 3 : i32
    %dma_wait3A_122 = arith.constant 3 : i32
    %dma_wait3A_123 = arith.constant 0 : i32
    %dma_wait3A_124 = tpu.memref_slice %arg9[%dma_wait3A_122, %dma_wait3A_123] : memref<8x128xf32, #tpu.memory_space<vmem>> -> memref<1x128xf32, #tpu.memory_space<vmem>>
    %dma_wait3A_125 = tpu.memref_squeeze %dma_wait3A_124 : memref<1x128xf32, #tpu.memory_space<vmem>> -> memref<128xf32, #tpu.memory_space<vmem>>
    %dma_wait3A_126 = arith.constant 0 : i32
    %dma_wait3A_127 = tpu.memref_slice %arg8[%dma_wait3A_121, %dma_wait3A_126] : memref<8x128xi32, #tpu.memory_space<vmem>> -> memref<1x128xi32, #tpu.memory_space<vmem>>
    %dma_wait3A_128 = tpu.memref_squeeze %dma_wait3A_127 : memref<1x128xi32, #tpu.memory_space<vmem>> -> memref<128xi32, #tpu.memory_space<vmem>>
    %dma_wait3A_129 = arith.constant 0 : i32
    %dma_wait3A_130 = tpu.memref_slice %arg4[%dma_wait3A_129] : memref<2025472xf32, #tpu.memory_space<hbm>> -> memref<2025472xf32, #tpu.memory_space<hbm>>
    tpu.wait_indirect_dma semaphore(%arg10 : memref<!tpu.dma_semaphore, #tpu.memory_space<semaphore_mem>>) src(%dma_wait3A_130 : memref<2025472xf32, #tpu.memory_space<hbm>>) dst(%dma_wait3A_125 : memref<128xf32, #tpu.memory_space<vmem>>)
    %dma_wait3A_131 = arith.constant 4 : i32
    %dma_wait3A_132 = arith.constant 4 : i32
    %dma_wait3A_133 = arith.constant 0 : i32
    %dma_wait3A_134 = tpu.memref_slice %arg9[%dma_wait3A_132, %dma_wait3A_133] : memref<8x128xf32, #tpu.memory_space<vmem>> -> memref<1x128xf32, #tpu.memory_space<vmem>>
    %dma_wait3A_135 = tpu.memref_squeeze %dma_wait3A_134 : memref<1x128xf32, #tpu.memory_space<vmem>> -> memref<128xf32, #tpu.memory_space<vmem>>
    %dma_wait3A_136 = arith.constant 0 : i32
    %dma_wait3A_137 = tpu.memref_slice %arg8[%dma_wait3A_131, %dma_wait3A_136] : memref<8x128xi32, #tpu.memory_space<vmem>> -> memref<1x128xi32, #tpu.memory_space<vmem>>
    %dma_wait3A_138 = tpu.memref_squeeze %dma_wait3A_137 : memref<1x128xi32, #tpu.memory_space<vmem>> -> memref<128xi32, #tpu.memory_space<vmem>>
    %dma_wait3A_139 = arith.constant 0 : i32
    %dma_wait3A_140 = tpu.memref_slice %arg4[%dma_wait3A_139] : memref<2025472xf32, #tpu.memory_space<hbm>> -> memref<2025472xf32, #tpu.memory_space<hbm>>
    tpu.wait_indirect_dma semaphore(%arg10 : memref<!tpu.dma_semaphore, #tpu.memory_space<semaphore_mem>>) src(%dma_wait3A_140 : memref<2025472xf32, #tpu.memory_space<hbm>>) dst(%dma_wait3A_135 : memref<128xf32, #tpu.memory_space<vmem>>)
    %dma_wait3A_141 = arith.constant 5 : i32
    %dma_wait3A_142 = arith.constant 5 : i32
    %dma_wait3A_143 = arith.constant 0 : i32
    %dma_wait3A_144 = tpu.memref_slice %arg9[%dma_wait3A_142, %dma_wait3A_143] : memref<8x128xf32, #tpu.memory_space<vmem>> -> memref<1x128xf32, #tpu.memory_space<vmem>>
    %dma_wait3A_145 = tpu.memref_squeeze %dma_wait3A_144 : memref<1x128xf32, #tpu.memory_space<vmem>> -> memref<128xf32, #tpu.memory_space<vmem>>
    %dma_wait3A_146 = arith.constant 0 : i32
    %dma_wait3A_147 = tpu.memref_slice %arg8[%dma_wait3A_141, %dma_wait3A_146] : memref<8x128xi32, #tpu.memory_space<vmem>> -> memref<1x128xi32, #tpu.memory_space<vmem>>
    %dma_wait3A_148 = tpu.memref_squeeze %dma_wait3A_147 : memref<1x128xi32, #tpu.memory_space<vmem>> -> memref<128xi32, #tpu.memory_space<vmem>>
    %dma_wait3A_149 = arith.constant 0 : i32
    %dma_wait3A_150 = tpu.memref_slice %arg4[%dma_wait3A_149] : memref<2025472xf32, #tpu.memory_space<hbm>> -> memref<2025472xf32, #tpu.memory_space<hbm>>
    tpu.wait_indirect_dma semaphore(%arg10 : memref<!tpu.dma_semaphore, #tpu.memory_space<semaphore_mem>>) src(%dma_wait3A_150 : memref<2025472xf32, #tpu.memory_space<hbm>>) dst(%dma_wait3A_145 : memref<128xf32, #tpu.memory_space<vmem>>)
    %dma_wait3A_151 = arith.constant 6 : i32
    %dma_wait3A_152 = arith.constant 6 : i32
    %dma_wait3A_153 = arith.constant 0 : i32
    %dma_wait3A_154 = tpu.memref_slice %arg9[%dma_wait3A_152, %dma_wait3A_153] : memref<8x128xf32, #tpu.memory_space<vmem>> -> memref<1x128xf32, #tpu.memory_space<vmem>>
    %dma_wait3A_155 = tpu.memref_squeeze %dma_wait3A_154 : memref<1x128xf32, #tpu.memory_space<vmem>> -> memref<128xf32, #tpu.memory_space<vmem>>
    %dma_wait3A_156 = arith.constant 0 : i32
    %dma_wait3A_157 = tpu.memref_slice %arg8[%dma_wait3A_151, %dma_wait3A_156] : memref<8x128xi32, #tpu.memory_space<vmem>> -> memref<1x128xi32, #tpu.memory_space<vmem>>
    %dma_wait3A_158 = tpu.memref_squeeze %dma_wait3A_157 : memref<1x128xi32, #tpu.memory_space<vmem>> -> memref<128xi32, #tpu.memory_space<vmem>>
    %dma_wait3A_159 = arith.constant 0 : i32
    %dma_wait3A_160 = tpu.memref_slice %arg4[%dma_wait3A_159] : memref<2025472xf32, #tpu.memory_space<hbm>> -> memref<2025472xf32, #tpu.memory_space<hbm>>
    tpu.wait_indirect_dma semaphore(%arg10 : memref<!tpu.dma_semaphore, #tpu.memory_space<semaphore_mem>>) src(%dma_wait3A_160 : memref<2025472xf32, #tpu.memory_space<hbm>>) dst(%dma_wait3A_155 : memref<128xf32, #tpu.memory_space<vmem>>)
    %dma_wait3A_161 = arith.constant 7 : i32
    %dma_wait3A_162 = arith.constant 7 : i32
    %dma_wait3A_163 = arith.constant 0 : i32
    %dma_wait3A_164 = tpu.memref_slice %arg9[%dma_wait3A_162, %dma_wait3A_163] : memref<8x128xf32, #tpu.memory_space<vmem>> -> memref<1x128xf32, #tpu.memory_space<vmem>>
    %dma_wait3A_165 = tpu.memref_squeeze %dma_wait3A_164 : memref<1x128xf32, #tpu.memory_space<vmem>> -> memref<128xf32, #tpu.memory_space<vmem>>
    %dma_wait3A_166 = arith.constant 0 : i32
    %dma_wait3A_167 = tpu.memref_slice %arg8[%dma_wait3A_161, %dma_wait3A_166] : memref<8x128xi32, #tpu.memory_space<vmem>> -> memref<1x128xi32, #tpu.memory_space<vmem>>
    %dma_wait3A_168 = tpu.memref_squeeze %dma_wait3A_167 : memref<1x128xi32, #tpu.memory_space<vmem>> -> memref<128xi32, #tpu.memory_space<vmem>>
    %dma_wait3A_169 = arith.constant 0 : i32
    %dma_wait3A_170 = tpu.memref_slice %arg4[%dma_wait3A_169] : memref<2025472xf32, #tpu.memory_space<hbm>> -> memref<2025472xf32, #tpu.memory_space<hbm>>
    tpu.wait_indirect_dma semaphore(%arg10 : memref<!tpu.dma_semaphore, #tpu.memory_space<semaphore_mem>>) src(%dma_wait3A_170 : memref<2025472xf32, #tpu.memory_space<hbm>>) dst(%dma_wait3A_165 : memref<128xf32, #tpu.memory_space<vmem>>)
    %mul3A_171 = arith.constant 8 : i32
    %mul3A_172 = arith.muli %arg1, %mul3A_171 : i32
    "tpu.region"() ({
      %run_scoped3A = tpu.sem_alloc : memref<!tpu.dma_semaphore, #tpu.memory_space<semaphore_mem>>
      %dma_start3A_173 = arith.constant 0 : i32
      %dma_start3A_174 = tpu.memref_slice %arg5[%mul3A_172, %dma_start3A_173] : memref<128x128xf32, #tpu.memory_space<hbm>> -> memref<8x128xf32, #tpu.memory_space<hbm>>
      %dma_start3A_175 = arith.constant 0 : i32
      %dma_start3A_176 = tpu.memref_slice %arg5[%mul3A_172, %dma_start3A_175] : memref<128x128xf32, #tpu.memory_space<hbm>> -> memref<8x128xf32, #tpu.memory_space<hbm>>
      tpu.enqueue_dma source(%arg9 : memref<8x128xf32, #tpu.memory_space<vmem>>) target(%dma_start3A_176 : memref<8x128xf32, #tpu.memory_space<hbm>>) target_semaphore(%run_scoped3A : memref<!tpu.dma_semaphore, #tpu.memory_space<semaphore_mem>>)
      %dma_wait3A_177 = arith.constant 0 : i32
      %dma_wait3A_178 = tpu.memref_slice %arg5[%mul3A_172, %dma_wait3A_177] : memref<128x128xf32, #tpu.memory_space<hbm>> -> memref<8x128xf32, #tpu.memory_space<hbm>>
      %dma_wait3A_179 = arith.constant 0 : i32
      %dma_wait3A_180 = tpu.memref_slice %arg5[%mul3A_172, %dma_wait3A_179] : memref<128x128xf32, #tpu.memory_space<hbm>> -> memref<8x128xf32, #tpu.memory_space<hbm>>
      tpu.wait_dma2 semaphore(%run_scoped3A : memref<!tpu.dma_semaphore, #tpu.memory_space<semaphore_mem>>) src(%arg9 : memref<8x128xf32, #tpu.memory_space<vmem>>) dst(%dma_wait3A_180 : memref<8x128xf32, #tpu.memory_space<hbm>>)
      tpu.yield
    }) : () -> ()
    return
  }
}

module attributes {stable_mosaic.version = 14 : i64} {
  func.func @_matmul_body(%arg0: i32, %arg1: memref<344x128xf32, #tpu.memory_space<vmem>>, %arg2: memref<2944x128xf32, #tpu.memory_space<vmem>>, %arg3: memref<1012736xf32, #tpu.memory_space<vmem>>) attributes {dimension_semantics = [#tpu.dimension_semantics<arbitrary>], iteration_bounds = array<i64: 2>, scalar_prefetch = 0 : i64, scratch_operands = 0 : i64, tpu.core_type = #tpu.core_type<tc>, window_params = [{transform_indices = @transform_0, window_bounds = array<i64: 344, 128>}, {transform_indices = @transform_1, window_bounds = array<i64: 2944, 128>}, {transform_indices = @transform_2, window_bounds = array<i64: 1012736>}]} {
    %get3A = arith.constant 0 : index
    %get3A_0 = arith.constant 0 : index
    %get3A_1 = vector.load %arg1[%get3A, %get3A_0] : memref<344x128xf32, #tpu.memory_space<vmem>>, vector<344x128xf32>
    %get3A_2 = arith.constant 0 : index
    %get3A_3 = arith.constant 0 : index
    %get3A_4 = vector.load %arg2[%get3A_2, %get3A_3] : memref<2944x128xf32, #tpu.memory_space<vmem>>, vector<2944x128xf32>
    %dot_general3A = arith.constant dense<0.000000e+00> : vector<344x2944xf32>
    %dot_general3A_5 = tpu.matmul %get3A_1, %get3A_4, %dot_general3A {dimension_numbers = #tpu.dot_dimension_numbers<[1], [1], [0], [0], [0, 0, 1, 0], [], []>, transpose_lhs_hint = false} : vector<344x128xf32>, vector<2944x128xf32>, vector<344x2944xf32> -> vector<344x2944xf32>
    %slice3A = vector.extract_strided_slice %dot_general3A_5 {offsets = [0, 0], sizes = [344, 128], strides = [1, 1]} : vector<344x2944xf32> to vector<344x128xf32>
    %reshape3A = vector.shape_cast %slice3A : vector<344x128xf32> to vector<44032xf32>
    %swap3A = arith.constant 0 : index
    %swap3A_6 = vector.load %arg3[%swap3A] : memref<1012736xf32, #tpu.memory_space<vmem>>, vector<44032xf32>
    tpu.vector_store %arg3[%swap3A], %reshape3A {strides = array<i32>} : memref<1012736xf32, #tpu.memory_space<vmem>>, vector<44032xf32>,
    %slice3A_7 = vector.extract_strided_slice %dot_general3A_5 {offsets = [0, 128], sizes = [344, 128], strides = [1, 1]} : vector<344x2944xf32> to vector<344x128xf32>
    %reshape3A_8 = vector.shape_cast %slice3A_7 : vector<344x128xf32> to vector<44032xf32>
    %swap3A_9 = arith.constant 44032 : index
    %swap3A_10 = vector.load %arg3[%swap3A_9] : memref<1012736xf32, #tpu.memory_space<vmem>>, vector<44032xf32>
    tpu.vector_store %arg3[%swap3A_9], %reshape3A_8 {strides = array<i32>} : memref<1012736xf32, #tpu.memory_space<vmem>>, vector<44032xf32>,
    %slice3A_11 = vector.extract_strided_slice %dot_general3A_5 {offsets = [0, 256], sizes = [344, 128], strides = [1, 1]} : vector<344x2944xf32> to vector<344x128xf32>
    %reshape3A_12 = vector.shape_cast %slice3A_11 : vector<344x128xf32> to vector<44032xf32>
    %swap3A_13 = arith.constant 88064 : index
    %swap3A_14 = vector.load %arg3[%swap3A_13] : memref<1012736xf32, #tpu.memory_space<vmem>>, vector<44032xf32>
    tpu.vector_store %arg3[%swap3A_13], %reshape3A_12 {strides = array<i32>} : memref<1012736xf32, #tpu.memory_space<vmem>>, vector<44032xf32>,
    %slice3A_15 = vector.extract_strided_slice %dot_general3A_5 {offsets = [0, 384], sizes = [344, 128], strides = [1, 1]} : vector<344x2944xf32> to vector<344x128xf32>
    %reshape3A_16 = vector.shape_cast %slice3A_15 : vector<344x128xf32> to vector<44032xf32>
    %swap3A_17 = arith.constant 132096 : index
    %swap3A_18 = vector.load %arg3[%swap3A_17] : memref<1012736xf32, #tpu.memory_space<vmem>>, vector<44032xf32>
    tpu.vector_store %arg3[%swap3A_17], %reshape3A_16 {strides = array<i32>} : memref<1012736xf32, #tpu.memory_space<vmem>>, vector<44032xf32>,
    %slice3A_19 = vector.extract_strided_slice %dot_general3A_5 {offsets = [0, 512], sizes = [344, 128], strides = [1, 1]} : vector<344x2944xf32> to vector<344x128xf32>
    %reshape3A_20 = vector.shape_cast %slice3A_19 : vector<344x128xf32> to vector<44032xf32>
    %swap3A_21 = arith.constant 176128 : index
    %swap3A_22 = vector.load %arg3[%swap3A_21] : memref<1012736xf32, #tpu.memory_space<vmem>>, vector<44032xf32>
    tpu.vector_store %arg3[%swap3A_21], %reshape3A_20 {strides = array<i32>} : memref<1012736xf32, #tpu.memory_space<vmem>>, vector<44032xf32>,
    %slice3A_23 = vector.extract_strided_slice %dot_general3A_5 {offsets = [0, 640], sizes = [344, 128], strides = [1, 1]} : vector<344x2944xf32> to vector<344x128xf32>
    %reshape3A_24 = vector.shape_cast %slice3A_23 : vector<344x128xf32> to vector<44032xf32>
    %swap3A_25 = arith.constant 220160 : index
    %swap3A_26 = vector.load %arg3[%swap3A_25] : memref<1012736xf32, #tpu.memory_space<vmem>>, vector<44032xf32>
    tpu.vector_store %arg3[%swap3A_25], %reshape3A_24 {strides = array<i32>} : memref<1012736xf32, #tpu.memory_space<vmem>>, vector<44032xf32>,
    %slice3A_27 = vector.extract_strided_slice %dot_general3A_5 {offsets = [0, 768], sizes = [344, 128], strides = [1, 1]} : vector<344x2944xf32> to vector<344x128xf32>
    %reshape3A_28 = vector.shape_cast %slice3A_27 : vector<344x128xf32> to vector<44032xf32>
    %swap3A_29 = arith.constant 264192 : index
    %swap3A_30 = vector.load %arg3[%swap3A_29] : memref<1012736xf32, #tpu.memory_space<vmem>>, vector<44032xf32>
    tpu.vector_store %arg3[%swap3A_29], %reshape3A_28 {strides = array<i32>} : memref<1012736xf32, #tpu.memory_space<vmem>>, vector<44032xf32>,
    %slice3A_31 = vector.extract_strided_slice %dot_general3A_5 {offsets = [0, 896], sizes = [344, 128], strides = [1, 1]} : vector<344x2944xf32> to vector<344x128xf32>
    %reshape3A_32 = vector.shape_cast %slice3A_31 : vector<344x128xf32> to vector<44032xf32>
    %swap3A_33 = arith.constant 308224 : index
    %swap3A_34 = vector.load %arg3[%swap3A_33] : memref<1012736xf32, #tpu.memory_space<vmem>>, vector<44032xf32>
    tpu.vector_store %arg3[%swap3A_33], %reshape3A_32 {strides = array<i32>} : memref<1012736xf32, #tpu.memory_space<vmem>>, vector<44032xf32>,
    %slice3A_35 = vector.extract_strided_slice %dot_general3A_5 {offsets = [0, 1024], sizes = [344, 128], strides = [1, 1]} : vector<344x2944xf32> to vector<344x128xf32>
    %reshape3A_36 = vector.shape_cast %slice3A_35 : vector<344x128xf32> to vector<44032xf32>
    %swap3A_37 = arith.constant 352256 : index
    %swap3A_38 = vector.load %arg3[%swap3A_37] : memref<1012736xf32, #tpu.memory_space<vmem>>, vector<44032xf32>
    tpu.vector_store %arg3[%swap3A_37], %reshape3A_36 {strides = array<i32>} : memref<1012736xf32, #tpu.memory_space<vmem>>, vector<44032xf32>,
    %slice3A_39 = vector.extract_strided_slice %dot_general3A_5 {offsets = [0, 1152], sizes = [344, 128], strides = [1, 1]} : vector<344x2944xf32> to vector<344x128xf32>
    %reshape3A_40 = vector.shape_cast %slice3A_39 : vector<344x128xf32> to vector<44032xf32>
    %swap3A_41 = arith.constant 396288 : index
    %swap3A_42 = vector.load %arg3[%swap3A_41] : memref<1012736xf32, #tpu.memory_space<vmem>>, vector<44032xf32>
    tpu.vector_store %arg3[%swap3A_41], %reshape3A_40 {strides = array<i32>} : memref<1012736xf32, #tpu.memory_space<vmem>>, vector<44032xf32>,
    %slice3A_43 = vector.extract_strided_slice %dot_general3A_5 {offsets = [0, 1280], sizes = [344, 128], strides = [1, 1]} : vector<344x2944xf32> to vector<344x128xf32>
    %reshape3A_44 = vector.shape_cast %slice3A_43 : vector<344x128xf32> to vector<44032xf32>
    %swap3A_45 = arith.constant 440320 : index
    %swap3A_46 = vector.load %arg3[%swap3A_45] : memref<1012736xf32, #tpu.memory_space<vmem>>, vector<44032xf32>
    tpu.vector_store %arg3[%swap3A_45], %reshape3A_44 {strides = array<i32>} : memref<1012736xf32, #tpu.memory_space<vmem>>, vector<44032xf32>,
    %slice3A_47 = vector.extract_strided_slice %dot_general3A_5 {offsets = [0, 1408], sizes = [344, 128], strides = [1, 1]} : vector<344x2944xf32> to vector<344x128xf32>
    %reshape3A_48 = vector.shape_cast %slice3A_47 : vector<344x128xf32> to vector<44032xf32>
    %swap3A_49 = arith.constant 484352 : index
    %swap3A_50 = vector.load %arg3[%swap3A_49] : memref<1012736xf32, #tpu.memory_space<vmem>>, vector<44032xf32>
    tpu.vector_store %arg3[%swap3A_49], %reshape3A_48 {strides = array<i32>} : memref<1012736xf32, #tpu.memory_space<vmem>>, vector<44032xf32>,
    %slice3A_51 = vector.extract_strided_slice %dot_general3A_5 {offsets = [0, 1536], sizes = [344, 128], strides = [1, 1]} : vector<344x2944xf32> to vector<344x128xf32>
    %reshape3A_52 = vector.shape_cast %slice3A_51 : vector<344x128xf32> to vector<44032xf32>
    %swap3A_53 = arith.constant 528384 : index
    %swap3A_54 = vector.load %arg3[%swap3A_53] : memref<1012736xf32, #tpu.memory_space<vmem>>, vector<44032xf32>
    tpu.vector_store %arg3[%swap3A_53], %reshape3A_52 {strides = array<i32>} : memref<1012736xf32, #tpu.memory_space<vmem>>, vector<44032xf32>,
    %slice3A_55 = vector.extract_strided_slice %dot_general3A_5 {offsets = [0, 1664], sizes = [344, 128], strides = [1, 1]} : vector<344x2944xf32> to vector<344x128xf32>
    %reshape3A_56 = vector.shape_cast %slice3A_55 : vector<344x128xf32> to vector<44032xf32>
    %swap3A_57 = arith.constant 572416 : index
    %swap3A_58 = vector.load %arg3[%swap3A_57] : memref<1012736xf32, #tpu.memory_space<vmem>>, vector<44032xf32>
    tpu.vector_store %arg3[%swap3A_57], %reshape3A_56 {strides = array<i32>} : memref<1012736xf32, #tpu.memory_space<vmem>>, vector<44032xf32>,
    %slice3A_59 = vector.extract_strided_slice %dot_general3A_5 {offsets = [0, 1792], sizes = [344, 128], strides = [1, 1]} : vector<344x2944xf32> to vector<344x128xf32>
    %reshape3A_60 = vector.shape_cast %slice3A_59 : vector<344x128xf32> to vector<44032xf32>
    %swap3A_61 = arith.constant 616448 : index
    %swap3A_62 = vector.load %arg3[%swap3A_61] : memref<1012736xf32, #tpu.memory_space<vmem>>, vector<44032xf32>
    tpu.vector_store %arg3[%swap3A_61], %reshape3A_60 {strides = array<i32>} : memref<1012736xf32, #tpu.memory_space<vmem>>, vector<44032xf32>,
    %slice3A_63 = vector.extract_strided_slice %dot_general3A_5 {offsets = [0, 1920], sizes = [344, 128], strides = [1, 1]} : vector<344x2944xf32> to vector<344x128xf32>
    %reshape3A_64 = vector.shape_cast %slice3A_63 : vector<344x128xf32> to vector<44032xf32>
    %swap3A_65 = arith.constant 660480 : index
    %swap3A_66 = vector.load %arg3[%swap3A_65] : memref<1012736xf32, #tpu.memory_space<vmem>>, vector<44032xf32>
    tpu.vector_store %arg3[%swap3A_65], %reshape3A_64 {strides = array<i32>} : memref<1012736xf32, #tpu.memory_space<vmem>>, vector<44032xf32>,
    %slice3A_67 = vector.extract_strided_slice %dot_general3A_5 {offsets = [0, 2048], sizes = [344, 128], strides = [1, 1]} : vector<344x2944xf32> to vector<344x128xf32>
    %reshape3A_68 = vector.shape_cast %slice3A_67 : vector<344x128xf32> to vector<44032xf32>
    %swap3A_69 = arith.constant 704512 : index
    %swap3A_70 = vector.load %arg3[%swap3A_69] : memref<1012736xf32, #tpu.memory_space<vmem>>, vector<44032xf32>
    tpu.vector_store %arg3[%swap3A_69], %reshape3A_68 {strides = array<i32>} : memref<1012736xf32, #tpu.memory_space<vmem>>, vector<44032xf32>,
    %slice3A_71 = vector.extract_strided_slice %dot_general3A_5 {offsets = [0, 2176], sizes = [344, 128], strides = [1, 1]} : vector<344x2944xf32> to vector<344x128xf32>
    %reshape3A_72 = vector.shape_cast %slice3A_71 : vector<344x128xf32> to vector<44032xf32>
    %swap3A_73 = arith.constant 748544 : index
    %swap3A_74 = vector.load %arg3[%swap3A_73] : memref<1012736xf32, #tpu.memory_space<vmem>>, vector<44032xf32>
    tpu.vector_store %arg3[%swap3A_73], %reshape3A_72 {strides = array<i32>} : memref<1012736xf32, #tpu.memory_space<vmem>>, vector<44032xf32>,
    %slice3A_75 = vector.extract_strided_slice %dot_general3A_5 {offsets = [0, 2304], sizes = [344, 128], strides = [1, 1]} : vector<344x2944xf32> to vector<344x128xf32>
    %reshape3A_76 = vector.shape_cast %slice3A_75 : vector<344x128xf32> to vector<44032xf32>
    %swap3A_77 = arith.constant 792576 : index
    %swap3A_78 = vector.load %arg3[%swap3A_77] : memref<1012736xf32, #tpu.memory_space<vmem>>, vector<44032xf32>
    tpu.vector_store %arg3[%swap3A_77], %reshape3A_76 {strides = array<i32>} : memref<1012736xf32, #tpu.memory_space<vmem>>, vector<44032xf32>,
    %slice3A_79 = vector.extract_strided_slice %dot_general3A_5 {offsets = [0, 2432], sizes = [344, 128], strides = [1, 1]} : vector<344x2944xf32> to vector<344x128xf32>
    %reshape3A_80 = vector.shape_cast %slice3A_79 : vector<344x128xf32> to vector<44032xf32>
    %swap3A_81 = arith.constant 836608 : index
    %swap3A_82 = vector.load %arg3[%swap3A_81] : memref<1012736xf32, #tpu.memory_space<vmem>>, vector<44032xf32>
    tpu.vector_store %arg3[%swap3A_81], %reshape3A_80 {strides = array<i32>} : memref<1012736xf32, #tpu.memory_space<vmem>>, vector<44032xf32>,
    %slice3A_83 = vector.extract_strided_slice %dot_general3A_5 {offsets = [0, 2560], sizes = [344, 128], strides = [1, 1]} : vector<344x2944xf32> to vector<344x128xf32>
    %reshape3A_84 = vector.shape_cast %slice3A_83 : vector<344x128xf32> to vector<44032xf32>
    %swap3A_85 = arith.constant 880640 : index
    %swap3A_86 = vector.load %arg3[%swap3A_85] : memref<1012736xf32, #tpu.memory_space<vmem>>, vector<44032xf32>
    tpu.vector_store %arg3[%swap3A_85], %reshape3A_84 {strides = array<i32>} : memref<1012736xf32, #tpu.memory_space<vmem>>, vector<44032xf32>,
    %slice3A_87 = vector.extract_strided_slice %dot_general3A_5 {offsets = [0, 2688], sizes = [344, 128], strides = [1, 1]} : vector<344x2944xf32> to vector<344x128xf32>
    %reshape3A_88 = vector.shape_cast %slice3A_87 : vector<344x128xf32> to vector<44032xf32>
    %swap3A_89 = arith.constant 924672 : index
    %swap3A_90 = vector.load %arg3[%swap3A_89] : memref<1012736xf32, #tpu.memory_space<vmem>>, vector<44032xf32>
    tpu.vector_store %arg3[%swap3A_89], %reshape3A_88 {strides = array<i32>} : memref<1012736xf32, #tpu.memory_space<vmem>>, vector<44032xf32>,
    %slice3A_91 = vector.extract_strided_slice %dot_general3A_5 {offsets = [0, 2816], sizes = [344, 128], strides = [1, 1]} : vector<344x2944xf32> to vector<344x128xf32>
    %reshape3A_92 = vector.shape_cast %slice3A_91 : vector<344x128xf32> to vector<44032xf32>
    %swap3A_93 = arith.constant 968704 : index
    %swap3A_94 = vector.load %arg3[%swap3A_93] : memref<1012736xf32, #tpu.memory_space<vmem>>, vector<44032xf32>
    tpu.vector_store %arg3[%swap3A_93], %reshape3A_92 {strides = array<i32>} : memref<1012736xf32, #tpu.memory_space<vmem>>, vector<44032xf32>,
    return
  }
  func.func @transform_0(%arg0: i32) -> (i32, i32) {
    %c0_i32 = arith.constant 0 : i32
    %c0_i32_0 = arith.constant 0 : i32
    %c0_i32_1 = arith.constant 0 : i32
    return %c0_i32, %c0_i32_0 : i32, i32
  }
  func.func @transform_1(%arg0: i32) -> (i32, i32) {
    %c0_i32 = arith.constant 0 : i32
    %c0_i32_0 = arith.constant 0 : i32
    return %arg0, %c0_i32 : i32, i32
  }
  func.func @transform_2(%arg0: i32) -> i32 {
    %c0_i32 = arith.constant 0 : i32
    return %arg0 : i32
  }
}

</mosaic_0001>

<sc_bundles>
// kernel: kernel.4.cloned.1.call-start
scs
__scs_entry_jumppad:
0x0: {  	(pc) =	sbr.rel $0x88, $3  }
0x1: {  	(tag) =	ssettag $0x0;
	lr =	simm.s32 $0x1  }
0x2: {  	[smem:$0x3F9D] =	sst lr;
	_ =	strace $0xD0000000  }
0x3: {  	_ = 	snop  }
0x4: {  	_ = 	snop  }
0x5: {  	_ = 	snop  }
0x6: {  	_ = 	snop  }
0x7: {  	_ = 	snop  }
__scs_overlays_trampoline_lowered:
0x8: {  	[smem:$0x3FAC] =	sst s0  }
0x9: {  	[smem:$0x3FAD] =	sst s1  }
0xa: {  	[smem:$0x3FAE] =	sst s2  }
0xb: {  	[smem:$0x3FAF] =	sst s3  }
0xc: {  	[smem:$0x3FB0] =	sst s4  }
0xd: {  	[smem:$0x3FB1] =	sst s5  }
0xe: {  	[smem:$0x3FB2] =	sst s6  }
0xf: {  	[smem:$0x3FB3] =	sst s7  }
0x10: {  	[smem:$0x3FB4] =	sst s8  }
0x11: {  	[smem:$0x3FB5] =	sst s9;
	s0 =	simm.s32 @!p0 $0x0  }
0x12: {  	s1 =	sld [smem:$0x3F9B];
	s0 =	simm.s32 @p0 $0x1  }
0x13: {  	[smem:$0x3FB6] =	sst s0;
	s0 =	simm.s32 @!p1 $0x0  }
0x14: {  	s2 =	sld [smem:$0x3F9A];
	s0 =	simm.s32 @p1 $0x1  }
0x15: {  	[smem:$0x3FB7] =	sst s0;
	s0 =	simm.s32 @!p2 $0x0  }
0x16: {  	s3 =	sld [smem:$0x3FDB];
	s0 =	simm.s32 @p2 $0x1  }
0x17: {  	s4 =	simm.s32 $0x1BF5;
	[smem:$0x3FB9] =	sst s0  }
0x18: {  	s0 =	sld [smem:$0x3F9C];
	_ =	swait.ge [sflag:s4], $0x0  }
0x19: {  	s7 =	sld [smem:$0x3F9D]  }
0x1a: {  	s8 =	sadd.s32 $0xFFFFE003, lr  }
0x1b: {  	s9 =	sadd.s32 $0xFFFFFEF7, lr;
	s5 =	simm.s32 $0xFFFFFFFF;
	p2 =	slt.u32 s8, $0xFFFFF086  }
0x1c: {  	p1 =	slt.u32 s9, $0xF7A;
	s5 =	simm.s32 @!p2 $0x0  }
0x1d: {  	s5 =	simm.s32 @p1 $0x1;
	p0 =	seq.s32 s7, s2  }
0x1e: {  	s7 =	smul.u32 @!p0 $0xF7A, s2;
	p2 =	seq.s32 @!p0 s5, $0x0  }
0x1f: {  	s9 =	smul.u32 $0xF7A, s1;
	s8 =	simm.s32 @!p0 $0x1BF5;
	p2 =	por !p2, p0  }
0x20: {  	[sflag:s8] =	ssyncset.s32 @!p0 $0xFFFFF086;
	s6 =	sadd.s32 @!p0 s3, s7;
	s7 =	simm.s32 @!p0 $0x108  }
0x21: {  	s3 =	sadd.s32 s3, s9;
	s6 =	sadd.s32 @!p0 $0x88, s6;
	s7 =	simm.s32 @p2 $0x1082  }
0x22: {  	[simem:s7], [sflag:s8] =	dma.local @!p0 [hbm:s6], $0xF7A  }
0x23: {  	s9 =	sor.u32 $0xD0000000, s2;
	s6 =	simm.s32 $0x108;
	_ =	swait.ge @!p0 [sflag:s8], $0x0  }
0x24: {  	s3 =	sadd.s32 $0x88, s3;
	s6 =	simm.s32 @!p1 $0x1082;
	[sflag:s4] =	ssyncset.s32 $0xFFFFF086  }
0x25: {  	[simem:s6], [sflag:s4] =	dma.local [hbm:s3], $0xF7A  }
0x26: {  	[smem:$0x3F9D] =	sst s1;
	(tag) =	ssettag s2;
	_ =	strace s9  }
0x27: {  	s1 =	sld [smem:$0x3FAD]  }
0x28: {  	s2 =	sld [smem:$0x3FAE]  }
0x29: {  	s4 =	sld [smem:$0x3FB0]  }
0x2a: {  	p0 =	seq.s32 s5, $0x0;
	s5 =	sld [smem:$0x3FB1]  }
0x2b: {  	s6 =	sld [smem:$0x3FB2]  }
0x2c: {  	s7 =	sld [smem:$0x3FB3]  }
0x2d: {  	s3 =	simm.s32 $0x108;
	s8 =	sld [smem:$0x3FB4]  }
0x2e: {  	s3 =	simm.s32 @!p0 $0x1082;
	s9 =	sld [smem:$0x3FB5]  }
0x2f: {  	lr =	sadd.s32 s0, s3;
	s0 =	sld [smem:$0x3FAC]  }
0x30: {  	s3 =	sld [smem:$0x3FAF]  }
0x31: {  	[smem:$0x3FB8] =	sst s10  }
0x32: {  	s10 =	sld [smem:$0x3FB6];
	_ =	sdelay $0x3  }
0x33: {  	p0 =	seq.s32 s10, $0x1;
	s10 =	sld [smem:$0x3FB8];
	_ =	sdelay $0x3  }
0x34: {  	[smem:$0x3FB8] =	sst s10  }
0x35: {  	s10 =	sld [smem:$0x3FB7];
	_ =	sdelay $0x3  }
0x36: {  	p1 =	seq.s32 s10, $0x1;
	s10 =	sld [smem:$0x3FB8];
	_ =	sdelay $0x3  }
0x37: {  	[smem:$0x3FB8] =	sst s10  }
0x38: {  	s10 =	sld [smem:$0x3FB9]  }
0x39: {  	_ = 	snop;
	(pc) =	sbr.ind lr, $3  }
0x3a: {  	_ = 	snop  }
0x3b: {  	_ = 	snop  }
0x3c: {  	p2 =	seq.s32 s10, $0x1;
	s10 =	sld [smem:$0x3FB8]  }
0x3d: {  	_ =	shalt  }
0x3e: {  	_ =	shalt  }
0x3f: {  	_ =	shalt  }
0x40: {  	_ =	shalt  }
0x41: {  	_ =	shalt  }
0x42: {  	_ =	shalt  }
0x43: {  	_ =	shalt  }
0x44: {  	_ =	shalt  }
0x45: {  	_ =	shalt  }
0x46: {  	_ =	shalt  }
0x47: {  	_ =	shalt  }
0x48: {  	_ =	shalt  }
0x49: {  	_ =	shalt  }
0x4a: {  	_ =	shalt  }
0x4b: {  	_ =	shalt  }
0x4c: {  	_ =	shalt  }
0x4d: {  	_ =	shalt  }
0x4e: {  	_ =	shalt  }
0x4f: {  	_ =	shalt  }
0x50: {  	_ =	shalt  }
0x51: {  	_ =	shalt  }
0x52: {  	_ =	shalt  }
0x53: {  	_ =	shalt  }
0x54: {  	_ =	shalt  }
0x55: {  	_ =	shalt  }
0x56: {  	_ =	shalt  }
0x57: {  	_ =	shalt  }
0x58: {  	_ =	shalt  }
0x59: {  	_ =	shalt  }
0x5a: {  	_ =	shalt  }
0x5b: {  	_ =	shalt  }
0x5c: {  	_ =	shalt  }
0x5d: {  	_ =	shalt  }
0x5e: {  	_ =	shalt  }
0x5f: {  	_ =	shalt  }
0x60: {  	_ =	shalt  }
0x61: {  	_ =	shalt  }
0x62: {  	_ =	shalt  }
0x63: {  	_ =	shalt  }
0x64: {  	_ =	shalt  }
0x65: {  	_ =	shalt  }
0x66: {  	_ =	shalt  }
0x67: {  	_ =	shalt  }
0x68: {  	_ =	shalt  }
0x69: {  	_ =	shalt  }
0x6a: {  	_ =	shalt  }
0x6b: {  	_ =	shalt  }
0x6c: {  	_ =	shalt  }
0x6d: {  	_ =	shalt  }
0x6e: {  	_ =	shalt  }
0x6f: {  	_ =	shalt  }
0x70: {  	_ =	shalt  }
0x71: {  	_ =	shalt  }
0x72: {  	_ =	shalt  }
0x73: {  	_ =	shalt  }
0x74: {  	_ =	shalt  }
0x75: {  	_ =	shalt  }
0x76: {  	_ =	shalt  }
0x77: {  	_ =	shalt  }
0x78: {  	_ =	shalt  }
0x79: {  	_ =	shalt  }
0x7a: {  	_ =	shalt  }
0x7b: {  	_ =	shalt  }
0x7c: {  	_ =	shalt  }
0x7d: {  	_ =	shalt  }
0x7e: {  	_ =	shalt  }
0x7f: {  	_ =	shalt  }
0x80: {  	_ =	shalt  }
0x81: {  	_ =	shalt  }
0x82: {  	_ =	shalt  }
0x83: {  	_ =	shalt  }
0x84: {  	_ =	shalt  }
0x85: {  	_ =	shalt  }
0x86: {  	_ =	shalt  }
0x87: {  	_ =	shalt  }
.Lfunc_end0:
.L_simem_size_0:
called_computation_lowered:
.L_overlay_start_0:
0x88: {  	s0 =	sld [smem:$0x3FD9]  }
0x89: {  	s1 =	sld [smem:$0x3FFE];
	_ =	sdelay $0x3  }
0x8a: {  	s0 =	sadd.s32 s1, s0  }
0x8b: {  	[smem:$0x3FC4] =	sst s0  }
0x8c: {  	_ = 	snop  }
0x8d: {  	s0 =	sld [smem:$0x3FC9]  }
0x8e: {  	s16 =	sld [smem:$0x3FC8]  }
0x8f: {  	s2 =	sld [smem:$0x3FD0];
	(tm) =	ssettm $0x1  }
0x90: {  	s3 =	sld [smem:$0x3FFB];
	_ =	sdelay $0x3  }
0x91: {  	_ =	strace s3  }
0x92: {  	s3 =	sld [smem:$0x3FFC];
	_ =	sdelay $0x3  }
0x93: {  	_ =	strace s3  }
0x94: {  	s3 =	sld [smem:$0x3FFD];
	_ =	sdelay $0x3  }
0x95: {  	_ =	strace s3  }
0x96: {  	_ =	strace $0x8FFFFFFF  }
0x97: {  	s17 =	sld [smem:$0x3FDB];
	_ =	sdelay $0x1  }
0x98: {  	s4 =	simm.s32 $_scs_section_size  }
0x99: {  	s5 =	simm.s32 $_size__tile_overlayer_lowered;
	s6 =	simm.s32 $_tile_overlayer_lowered  }
0x9a: {  	s20 =	simm.s32 $0x1BFF;
	s19 =	sshll.u32 s6, $0x1;
	s3 =	sadd.s32 s4, s17  }
0x9b: {  	s7 =	simm.s32 $0x0;
	s18 =	sshll.u32 s5, $0x1;
	s5 =	sadd.s32 s19, s3  }
0x9c: {  	[timem:s7], [sflag:s20] =	dma.local [hbm:s5], s18  }
0x9d: {  	_ =	swait.ge [sflag:s20], s18  }
0x9e: {  	s4 =	ssub.s32 $0x0, s18;
	[sflag:s20] =	ssyncset.done $0x0  }
0x9f: {  	[sflag:s20] =	ssyncadd.s32 s4;
	_ =	sdelay $0x1  }
0xa0: {  	s21 =	simm.s32 $0x1B8B  }
0xa1: {  	_ =	swait.ge [sflag:s21], $0x1  }
0xa2: {  	[sflag:s21] =	ssyncset.done $0x0  }
0xa3: {  	s23 =	simm.s32 $0x1B8E;
	s22 =	sld [smem:$0x3FFE];
	[sflag:s21] =	ssyncadd.s32 $0xFFFFFFFF  }
0xa4: {  	s24 =	simm.s32 $execute0_lowered;
	[smem:$0x3FD2] =	sst s23  }
0xa5: {  	s5 =	sshll.u32 s24, $0x1;
	_ =	strace $0x80000046;
	[dreg:$0x1] =	wrdreg $0xFFFFFFFF  }
0xa6: {  	s25 =	simm.s32 $_size_execute0_lowered;
	s3 =	sadd.s32 s3, s5;
	[dreg:$0x0] =	wrdreg $0x0  }
0xa7: {  	s5 =	sshll.u32 s25, $0x1;
	[dreg:$0x2] =	wrdreg s3  }
0xa8: {  	[dreg:$0x3] =	wrdreg s5  }
0xa9: {  	[dreg:$0x4] =	wrdreg $0xC0  }
0xaa: {  	_ =	task [dreg:s7], $0x5FFFF  }
0xab: {  	[dreg:$0x1] =	wrdreg $0xFFFFFFFF  }
0xac: {  	[dreg:$0x0] =	wrdreg $0x60  }
0xad: {  	[dreg:$0x2] =	wrdreg s0  }
0xae: {  	[dreg:$0x3] =	wrdreg s16  }
0xaf: {  	[dreg:$0x4] =	wrdreg s22  }
0xb0: {  	[dreg:$0x5] =	wrdreg s2  }
0xb1: {  	[dreg:$0x6] =	wrdreg $0x9  }
0xb2: {  	_ =	task.clear_ibuf [dreg:s7], $0x7FFFF;
	_ =	strace $0x90000046  }
0xb3: {  	s26 =	simm.s32 $0x9;
	_ =	strace $0x80000048  }
0xb4: {  	_ =	swait.ge [sflag:s26], $0x1  }
0xb5: {  	[sflag:s26] =	ssyncadd.s32 $0xFFFFFFFF  }
0xb6: {  	_ =	strace $0x90000048  }
0xb7: {  	_ =	sfence  }
0xb8: {  	s28 =	sld [smem:$0x0];
	_ =	sdelay $0x1  }
0xb9: {  	s29 =	srdreg.scid  }
0xba: {  	s30 =	sshll.u32 s29, $0xD;
	s31 =	sshrl.u32 s29, $0x2  }
0xbb: {  	s1 =	sand.u32 $0x1, s29;
	s2 =	sand.u32 $0x4000, s30;
	s0 =	sadd.s32 s31, s28  }
0xbc: {  	s1 =	sor.u32 s2, s1;
	s0 =	sshll.u32 s0, $0x11  }
0xbd: {  	s0 =	sor.u32 s0, s1  }
0xbe: {  	s0 =	sadd.s32 $0x8F2B, s0  }
0xbf: {  	[sflag:s0] =	ssyncadd.remote.s32 $0x1  }
0xc0: {  	_ =	sfence.sel $0xFFFF  }
0xc1: {  	[dreg:$0x0] =	wrdreg $0xFFFFFFFF;
	(pc) =	sbr.abs _section_cstart, $3  }
0xc2: {  	[dreg:$0x1] =	wrdreg $0xFFFFFFFF  }
0xc3: {  	_ =	task.clear_ibuf [dreg:s7], $0x2FFFF;
	_ =	strace $0x9FFFFFFF  }
0xc4: {  	(tm) =	ssettm $0x7FFFFFFF  }
0xc5: {  	_ =	shalt  }
tec
execute0_lowered:
.L_overlay_start_1:
0x0: {  	(tag) =	ssettag $0x1  }
0x1: {  	s4 =	rddreg [dreg:$0x0]  }
0x2: {  	s6 =	rddreg [dreg:$0x1]  }
0x3: {  	s7 =	rddreg [dreg:$0x2]  }
0x4: {  	s2 =	rddreg [dreg:$0x3];
	s5 =	simm.s32 $0x0;
	s1 =	stileid.u32  }
0x5: {  	[smem:$0x7FF] =	sst s5;
	s3 =	sshll.u32 s1, $0x7  }
0x6: {  	s0 =	rddreg [dreg:$0x4];
	_ =	strace $0x80000047;
	s4 =	sadd.s32 s4, s3  }
0x7: {  	[tilespmem:s5], [sflag:$0x1] =	stream.linear.gather [hbm4b:s4+s5], $0x400, $0x38;
	[tilespmem:$0x1000] =	vst v63  }
0x8: {  	s25 =	simm.s32 $0x400;
	s26 =	simm.s32 $0x1;
	s24 =	sadd.s32 s6, s3  }
0x9: {  	[tilespmem:s25], [sflag:$0x2] =	stream.linear.gather [hbm4b:s24+s5], $0x400, $0x38;
	[tilespmem:$0x1000] =	vst v63  }
0xa: {  	_ =	swait.ge [sflag:s26], $0x400  }
0xb: {  	[sflag:s26] =	ssyncset.done $0x0  }
0xc: {  	s28 =	simm.s32 $0x2;
	[sflag:s26] =	ssyncadd.s32 $0xFFFFFC00  }
0xd: {  	_ =	swait.ge [sflag:s28], $0x400  }
0xe: {  	[sflag:s28] =	ssyncset.done $0x0  }
0xf: {  	s29 =	simm.s32 $0x0;
	[sflag:s28] =	ssyncadd.s32 $0xFFFFFC00  }
0x10: {  	v0 =	vld [tilespmem:s29+$0x400];
	_ =	sdelay $0x1  }
0x11: {  	v1 =	vld [tilespmem:s29+$0x0];
	_ =	sdelay $0x2  }
0x12: {  	v2 =	vshrl.u32 v0, $0x7  }
0x13: {  	v2 =	vmul.u32 $0xAC00, v2  }
0x14: {  	s30 =	sand.u32 $0xE00, s5;
	v1 =	vshll.u32 v1, $0x7  }
0x15: {  	s31 =	sand.u32 $0x70, s5;
	s8 =	sshrl.u32 s30, $0x2;
	v0 =	vand.u32 $0x7F, v0;
	v1 =	vadd.s32 v1, v2  }
0x16: {  	s6 =	simm.s32 $0x40;
	s9 =	sor.u32 s31, s8;
	v0 =	vor.u32 v0, v1  }
0x17: {  	s4 =	sadd.s32 $0xA00, s7;
	s8 =	simm.s32 $0x10;
	s7 =	simm.s32 $0x80;
	[tilespmem:s9+$0x800] =	vst v0  }
.LBB2_1:
0x18: {  	p0 =	sne.s32 s7, $0xFC0;
	v0 =	vld [tilespmem:s8+$0x400];
	_ =	sdelay $0x1  }
0x19: {  	v1 =	vld [tilespmem:s8+$0x0];
	_ =	sdelay $0x2  }
0x1a: {  	v2 =	vshrl.u32 v0, $0x7  }
.Ltmp0:
0x1b: {  	v2 =	vmul.u32 $0xAC00, v2;
	(pc) =	sbr.rel @p0 .LBB2_1-.Ltmp0, $4  }
0x1c: {  	s5 =	sadd.s32 $0x10, s5;
	s8 =	sand.u32 $0xE00, s6;
	s6 =	smov.u32 s7;
	v1 =	vshll.u32 v1, $0x7  }
0x1d: {  	s9 =	sand.u32 $0x70, s5;
	s8 =	sshrl.u32 s8, $0x2;
	v0 =	vand.u32 $0x7F, v0;
	v1 =	vadd.s32 v1, v2  }
0x1e: {  	s9 =	sor.u32 s9, s8;
	v0 =	vor.u32 v0, v1  }
0x1f: {  	s7 =	sadd.s32 $0x40, s7;
	s8 =	sshra.s32 s6, $0x2;
	[tilespmem:s9+$0x800] =	vst v0  }
0x20: {  	v0 =	vld [tilespmem:s8+$0x400];
	_ =	sdelay $0x1  }
0x21: {  	v1 =	vld [tilespmem:s8+$0x0];
	_ =	sdelay $0x2  }
0x22: {  	v2 =	vshrl.u32 v0, $0x7  }
0x23: {  	v2 =	vmul.u32 $0xAC00, v2  }
0x24: {  	s6 =	sand.u32 $0xE00, s6;
	s5 =	sadd.s32 $0x10, s5;
	v1 =	vshll.u32 v1, $0x7  }
0x25: {  	s5 =	sand.u32 $0x70, s5;
	s6 =	sshrl.u32 s6, $0x2;
	v0 =	vand.u32 $0x7F, v0;
	v1 =	vadd.s32 v1, v2  }
0x26: {  	s5 =	sor.u32 s5, s6;
	v0 =	vor.u32 v0, v1  }
0x27: {  	s12 =	simm.s32 $0x80;
	s13 =	simm.s32 $0x800;
	s7 =	simm.s32 $0xC00;
	[tilespmem:s5+$0x800] =	vst v0  }
0x28: {  	[tilespmem:s7], [sflag:$0x1] =	stream.indirect.gather [hbm4b:s4+s12], $0x1, s13, s12, $0xb8;
	[tilespmem:$0x1000] =	vst v63  }
0x29: {  	s14 =	simm.s32 $0x880;
	s15 =	simm.s32 $0xC80  }
0x2a: {  	[tilespmem:s15], [sflag:$0x1] =	stream.indirect.gather [hbm4b:s4+s12], $0x1, s14, s12, $0xb8;
	[tilespmem:$0x1000] =	vst v63  }
0x2b: {  	s16 =	simm.s32 $0x900;
	s17 =	simm.s32 $0xD00  }
0x2c: {  	[tilespmem:s17], [sflag:$0x1] =	stream.indirect.gather [hbm4b:s4+s12], $0x1, s16, s12, $0xb8;
	[tilespmem:$0x1000] =	vst v63  }
0x2d: {  	s18 =	simm.s32 $0x980;
	s19 =	simm.s32 $0xD80  }
0x2e: {  	[tilespmem:s19], [sflag:$0x1] =	stream.indirect.gather [hbm4b:s4+s12], $0x1, s18, s12, $0xb8;
	[tilespmem:$0x1000] =	vst v63  }
0x2f: {  	s20 =	simm.s32 $0xA00;
	s21 =	simm.s32 $0xE00  }
0x30: {  	[tilespmem:s21], [sflag:$0x1] =	stream.indirect.gather [hbm4b:s4+s12], $0x1, s20, s12, $0xb8;
	[tilespmem:$0x1000] =	vst v63  }
0x31: {  	s22 =	simm.s32 $0xA80;
	s23 =	simm.s32 $0xE80  }
0x32: {  	[tilespmem:s23], [sflag:$0x1] =	stream.indirect.gather [hbm4b:s4+s12], $0x1, s22, s12, $0xb8;
	[tilespmem:$0x1000] =	vst v63  }
0x33: {  	s24 =	simm.s32 $0xB00;
	s25 =	simm.s32 $0xF00  }
0x34: {  	[tilespmem:s25], [sflag:$0x1] =	stream.indirect.gather [hbm4b:s4+s12], $0x1, s24, s12, $0xb8;
	[tilespmem:$0x1000] =	vst v63  }
0x35: {  	s26 =	simm.s32 $0xB80;
	s28 =	simm.s32 $0xF80;
	s29 =	simm.s32 $0x1  }
0x36: {  	[tilespmem:s28], [sflag:$0x1] =	stream.indirect.gather [hbm4b:s4+s12], $0x1, s26, s12, $0xb8;
	[tilespmem:$0x1000] =	vst v63  }
0x37: {  	_ =	swait.ge [sflag:s29], $0x80  }
0x38: {  	[sflag:s29] =	ssyncset.done $0x0  }
0x39: {  	[sflag:s29] =	ssyncadd.s32 $0xFFFFFF80  }
0x3a: {  	_ =	swait.ge [sflag:s29], $0x80  }
0x3b: {  	[sflag:s29] =	ssyncset.done $0x0  }
0x3c: {  	[sflag:s29] =	ssyncadd.s32 $0xFFFFFF80  }
0x3d: {  	_ =	swait.ge [sflag:s29], $0x80  }
0x3e: {  	[sflag:s29] =	ssyncset.done $0x0  }
0x3f: {  	[sflag:s29] =	ssyncadd.s32 $0xFFFFFF80  }
0x40: {  	_ =	swait.ge [sflag:s29], $0x80  }
0x41: {  	[sflag:s29] =	ssyncset.done $0x0  }
0x42: {  	[sflag:s29] =	ssyncadd.s32 $0xFFFFFF80  }
0x43: {  	_ =	swait.ge [sflag:s29], $0x80  }
0x44: {  	[sflag:s29] =	ssyncset.done $0x0  }
0x45: {  	[sflag:s29] =	ssyncadd.s32 $0xFFFFFF80  }
0x46: {  	_ =	swait.ge [sflag:s29], $0x80  }
0x47: {  	[sflag:s29] =	ssyncset.done $0x0  }
0x48: {  	[sflag:s29] =	ssyncadd.s32 $0xFFFFFF80  }
0x49: {  	_ =	swait.ge [sflag:s29], $0x80  }
0x4a: {  	[sflag:s29] =	ssyncset.done $0x0  }
0x4b: {  	[sflag:s29] =	ssyncadd.s32 $0xFFFFFF80  }
0x4c: {  	_ =	swait.ge [sflag:s29], $0x80  }
0x4d: {  	s2 =	sadd.s32 s2, s3;
	[sflag:s29] =	ssyncset.done $0x0  }
0x4e: {  	s30 =	simm.s32 $0x0;
	s31 =	simm.s32 $0x3;
	[sflag:s29] =	ssyncadd.s32 $0xFFFFFF80  }
0x4f: {  	[hbm4b:s2+s30] =	stream.linear.scatter [tilespmem:s7], [sflag:$0x3], $0x400, $0x38;
	[tilespmem:$0x1000] =	vst v63  }
0x50: {  	_ =	swait.ge [sflag:s31], $0x400  }
0x51: {  	[sflag:s31] =	ssyncset.done $0x0  }
0x52: {  	[sflag:s31] =	ssyncadd.s32 $0xFFFFFC00  }
0x53: {  	_ =	sfence.sel $0x180000  }
0x54: {  	[bflag:$0x0] =	sbarrier.arrive $0xFFFF  }
0x55: {  	p0 =	sne.s32 s1, $0x0;
	_ =	strace $0x90000047  }
0x56: {  	s0 =	sadd.s32 @!p0 $0x100000, s0;
	[bflag:$0x2] =	sbarrier.arrive $0xFFFF  }
0x57: {  	[sflag:s0] =	ssyncadd.tile.s32 @!p0 $0x1;
	_ =	shalt  }
.Lfunc_end2:
_tile_overlayer_lowered:
.L_overlay_start_2:
0x58: {  	(tag) =	ssettag $0x2  }
0x59: {  	s0 =	rddreg [dreg:$0x0];
	s2 =	stileid.u32  }
0x5a: {  	s1 =	rddreg [dreg:$0x1];
	p0 =	sne.s32 s2, $0x0  }
0x5b: {  	s3 =	rddreg [dreg:$0x2];
	[bflag:$0x3] =	sbarrier.arrive $0xFFFF;
	s2 =	simm.s32 @!p0 $0x1C03  }
0x5c: {  	[timem:s3], [sflag:s2] =	dma.local @!p0 [hbm:s0], s1  }
0x5d: {  	s0 =	simm.s32 @!p0 $0x3  }
0x5e: {  	_ =	swait.ge @!p0 [sflag:s0], s1  }
0x5f: {  	s1 =	ssub.s32 @!p0 $0x0, s1;
	[sflag:s0] =	ssyncset.done @!p0 $0x0  }
0x60: {  	[sflag:s0] =	ssyncadd.s32 @!p0 s1  }
0x61: {  	[bflag:$0x3] =	sbarrier.arrive $0xFFFF  }
0x62: {  	_ =	shalt  }

</sc_bundles>
